<compile_context>
chip_gen: v7x
topology: tpu7x:2x2x1
jax: 0.10.2.dev20260603
libtpu: 0.0.44.dev20260713+nightly
codegen_flags: <defaults>
</compile_context>

<pallas_src>
import functools

import jax
import jax.numpy as jnp
from jax import lax
from jax.experimental import pallas as pl
from jax.experimental.pallas import tpu as pltpu
from jax.experimental.pallas import tpu_sc as plsc

_N = 100000
_D = 128
_G = 128
_B = 256

_NSC = 64000
_S = 128
_NSUB = _NSC // _S
_NW = 32
_MAXJ = -(-_NSUB // _NW)
_HALF = _MAXJ // 2

_RB = 4000
_TC0 = _NSC // _RB
_NTB = (_N - _NSC) // _RB


def _sc_body(x_hbm, batch_hbm, acc_out,
             xbufa, xbufb, ida, idb, zrow, acc_sh, sema, semb):
    cid = lax.axis_index("c")
    sid = lax.axis_index("s")
    wid = sid * 2 + cid

    zero16 = jnp.zeros((16,), jnp.float32)

    def _init_z(i, carry):
        for g in range(_D // 16):
            zrow[i, pl.ds(g * 16, 16)] = zero16
        return carry

    lax.fori_loop(0, 16, _init_z, 0)

    pltpu.sync_copy(zrow, acc_sh.at[pl.ds(sid * 16, 16), :])
    plsc.subcore_barrier()

    def _start(k, idbuf, xbuf, sem):
        @pl.when(k < _NSUB)
        def _():
            pltpu.async_copy(batch_hbm.at[pl.ds(k * _S, _S)], idbuf, sem)
            pltpu.async_copy(x_hbm.at[pl.ds(k * _S, _S), :], xbuf, sem)

    def _finish(k, idbuf, xbuf, sem):
        @pl.when(k < _NSUB)
        def _():
            pltpu.make_async_copy(batch_hbm.at[pl.ds(k * _S, _S)],
                                  idbuf, sem).wait()
            pltpu.make_async_copy(x_hbm.at[pl.ds(k * _S, _S), :],
                                  xbuf, sem).wait()
            pltpu.sync_copy(xbuf, acc_sh.at[idbuf], add=True)

    _start(wid, ida, xbufa, sema)

    def _round(jj, carry):
        ka = wid + _NW * (2 * jj)
        kb = ka + _NW
        ka2 = ka + 2 * _NW
        _start(kb, idb, xbufb, semb)
        _finish(ka, ida, xbufa, sema)
        _start(ka2, ida, xbufa, sema)
        _finish(kb, idb, xbufb, semb)
        return carry

    lax.fori_loop(0, _HALF, _round, 0)

    plsc.subcore_barrier()
    pltpu.sync_copy(acc_sh.at[pl.ds(sid * 16, 16), :],
                    acc_out.at[cid, pl.ds(sid * 16, 16), :])


_sc_segsum = functools.partial(
    pl.kernel,
    mesh=plsc.VectorSubcoreMesh(core_axis_name="c", subcore_axis_name="s"),
    out_type=jax.ShapeDtypeStruct((2, _B, _D), jnp.float32),
    scratch_types=[
        pltpu.VMEM((_S, _D), jnp.float32),
        pltpu.VMEM((_S, _D), jnp.float32),
        pltpu.VMEM((_S,), jnp.int32),
        pltpu.VMEM((_S,), jnp.int32),
        pltpu.VMEM((16, _D), jnp.float32),
        pltpu.VMEM_SHARED((_B, _D), jnp.float32),
        pltpu.SemaphoreType.DMA,
        pltpu.SemaphoreType.DMA,
    ],
)(_sc_body)


def _onehot_body(batch_ref, x_ref, out_ref, acc):
    i = pl.program_id(0)

    @pl.when(i == 0)
    def _init():
        acc[...] = jnp.zeros_like(acc)

    ids = batch_ref[0, 0, :]
    onehot = (jax.lax.broadcasted_iota(jnp.int32, (_B, _RB), 0)
              == ids[None, :]).astype(jnp.bfloat16)
    xf = x_ref[...]
    x_hi = xf.astype(jnp.bfloat16)
    x_lo = (xf - x_hi.astype(jnp.float32)).astype(jnp.bfloat16)
    acc[...] += (jnp.dot(onehot, x_hi, preferred_element_type=jnp.float32)
                 + jnp.dot(onehot, x_lo, preferred_element_type=jnp.float32))

    @pl.when(i == _NTB - 1)
    def _finish():
        out_ref[...] = acc[...]


def _count_body(batch_ref, cnt_ref):
    ids = batch_ref[0, :]
    hi = ids // 16
    lo = ids - hi * 16
    H = (jax.lax.broadcasted_iota(jnp.int32, (16, _N), 0)
         == hi[None, :]).astype(jnp.float32)
    L = (jax.lax.broadcasted_iota(jnp.int32, (16, _N), 0)
         == lo[None, :]).astype(jnp.float32)
    cnt_ref[...] = jax.lax.dot_general(
        H, L, dimension_numbers=(((1,), (1,)), ((), ())),
        preferred_element_type=jnp.float32)


def _mlp_body(acc_ref, tc_ref, cnt_ref, u_ref, W1_ref, b1_ref, W2_ref,
              b2_ref, out_ref):
    sums = acc_ref[0] + acc_ref[1] + tc_ref[...]
    pooled = sums / jnp.maximum(cnt_ref[...], 1.0)
    h = jnp.maximum(
        jnp.dot(u_ref[...], W1_ref[0:_G, :],
                preferred_element_type=jnp.float32)
        + jnp.dot(pooled, W1_ref[_G:_G + _D, :],
                  preferred_element_type=jnp.float32)
        + b1_ref[...], 0.0)
    out_ref[...] = (jnp.dot(h, W2_ref[...],
                            preferred_element_type=jnp.float32)
                    + b2_ref[...])


def kernel(x, edge_index, edge_attr, u, batch, W1, b1, W2, b2):
    del edge_index, edge_attr
    batch_i32 = batch.astype(jnp.int32)
    acc2 = _sc_segsum(x, batch_i32)

    batch3d_tc = batch_i32[_NSC:].reshape(_NTB, 1, _RB)
    tc_acc = pl.pallas_call(
        _onehot_body,
        grid=(_NTB,),
        in_specs=[
            pl.BlockSpec((1, 1, _RB), lambda i: (i, 0, 0)),
            pl.BlockSpec((_RB, _D), lambda i: (i + _TC0, 0)),
        ],
        out_specs=pl.BlockSpec((_B, _D), lambda i: (0, 0)),
        out_shape=jax.ShapeDtypeStruct((_B, _D), jnp.float32),
        scratch_shapes=[pltpu.VMEM((_B, _D), jnp.float32)],
    )(batch3d_tc, x)

    cnt16 = pl.pallas_call(
        _count_body,
        out_shape=jax.ShapeDtypeStruct((16, 16), jnp.float32),
    )(batch_i32.reshape(1, _N))
    cnt = cnt16.reshape(_B, 1)

    return pl.pallas_call(
        _mlp_body,
        out_shape=jax.ShapeDtypeStruct((_B, _G), jnp.float32),
    )(acc2, tc_acc, cnt, u, W1, b1.reshape(1, _G), W2, b2.reshape(1, _G))

# --- scband reference (transcript-rebuilt; emitter-appended) ---
"""Pipeline reference for scband-global-model-24773371363900 (READ-ONLY COPY).

The authoritative reference and input builder live on the scoring server;
editing this copy changes nothing except your own understanding.
"""

import jax, jax.numpy as jnp
import numpy as np

N = 100000
E = 1600000
D = 128            # node_out
G = 128            # global_dim
B = 256            # number of graphs
D_EDGE = 16

def setup_inputs(seed: int = 0) -> dict:
    key = jax.random.key(seed)
    ks = jax.random.split(key, 10)
    x = jax.random.normal(ks[0], (N, D), dtype=jnp.float32)
    edge_index = jax.random.randint(ks[1], (2, E), 0, N, dtype=jnp.int64)
    edge_attr = jax.random.normal(ks[2], (E, D_EDGE), dtype=jnp.float32)
    u = jax.random.normal(ks[3], (B, G), dtype=jnp.float32)
    batch = jnp.sort(jax.random.randint(ks[4], (N,), 0, B, dtype=jnp.int64))
    # global_mlp params: Linear(G + D -> G), ReLU, Linear(G -> G)
    W1 = jax.random.normal(ks[5], (G + D, G), dtype=jnp.float32) * (1.0 / np.sqrt(G + D))
    b1 = jnp.zeros((G,), dtype=jnp.float32)
    W2 = jax.random.normal(ks[6], (G, G), dtype=jnp.float32) * (1.0 / np.sqrt(G))
    b2 = jnp.zeros((G,), dtype=jnp.float32)
    return {"x": x, "edge_index": edge_index, "edge_attr": edge_attr, "u": u,
            "batch": batch, "W1": W1, "b1": b1, "W2": W2, "b2": b2}

def scatter_mean(src, index, num_segments):
    sums = jax.ops.segment_sum(src, index, num_segments=num_segments)
    counts = jax.ops.segment_sum(jnp.ones((src.shape[0],), dtype=src.dtype), index, num_segments=num_segments)
    counts = jnp.clip(counts, 1.0, None)
    return sums / counts[:, None]

def reference(x, edge_index, edge_attr, u, batch, W1, b1, W2, b2):
    num_graphs = u.shape[0]
    pooled = scatter_mean(x, batch, num_graphs)
    out = jnp.concatenate([u, pooled], axis=1)
    h = jax.nn.relu(out @ W1 + b1)
    return h @ W2 + b2

if __name__ == "__main__":
    import jax
    _d = setup_inputs()
    print(jax.jit(kernel)(*tuple(_d.values())))

</pallas_src>

<mosaic_0001>
#map = affine_map<(d0, d1) -> (0, 0)>
#map1 = affine_map<(d0, d1) -> (0)>
#map2 = affine_map<(d0, d1) -> (0, 0, 0)>
module attributes {stable_mosaic.version = 14 : i64} {
  func.func @_sc_body(%arg0: i32, %arg1: i32, %arg2: memref<100000x128xf32, #tpu.memory_space<hbm>>, %arg3: memref<100000xi32, #tpu.memory_space<hbm>>, %arg4: memref<2x256x128xf32, #tpu.memory_space<hbm>>, %arg5: memref<128x128xf32, #tpu.memory_space<vmem>>, %arg6: memref<128x128xf32, #tpu.memory_space<vmem>>, %arg7: memref<128xi32, #tpu.memory_space<vmem>>, %arg8: memref<128xi32, #tpu.memory_space<vmem>>, %arg9: memref<16x128xf32, #tpu.memory_space<vmem>>, %arg10: memref<256x128xf32, #tpu.memory_space<vmem_shared>>, %arg11: memref<!tpu.dma_semaphore, #tpu.memory_space<semaphore_mem>>, %arg12: memref<!tpu.dma_semaphore, #tpu.memory_space<semaphore_mem>>) attributes {dimension_semantics = [#tpu.dimension_semantics<core_parallel>, #tpu.dimension_semantics<subcore_parallel>], iteration_bounds = array<i64: 2, 16>, scalar_prefetch = 0 : i64, scratch_operands = 8 : i64, tpu.core_type = #tpu.core_type<sc_vector_subcore>, window_params = [{transform_indices = #map}, {transform_indices = #map1}, {transform_indices = #map2}]} {
    %mul3A = arith.constant 2 : i32
    %mul3A_0 = arith.muli %arg1, %mul3A : i32
    %add3A = arith.addi %mul3A_0, %arg0 : i32
    %broadcast_in_dim3A = arith.constant 0.000000e+00 : f32
    %broadcast_in_dim3A_1 = vector.broadcast %broadcast_in_dim3A : f32 to vector<16xf32>
    %scan3A = arith.constant 0 : i32
    %scan3A_2 = arith.constant 0 : i32
    %scan3A_3 = arith.constant 16 : i32
    %scan3A_4 = arith.addi %scan3A_2, %scan3A_3 : i32
    %scan3A_5 = arith.constant 1 : i32
    scf.for %scan3A_22 = %scan3A_2 to %scan3A_4 step %scan3A_5  : i32 {
      %swap3A = arith.index_cast %scan3A_22 : i32 to index
      %swap3A_23 = arith.constant 0 : index
      %swap3A_24 = tpu.vector_load %arg9[%swap3A, %swap3A_23] {strides = array<i32>} : memref<16x128xf32, #tpu.memory_space<vmem>>, vector<1x16xf32>,
      %swap3A_25 = vector.shape_cast %swap3A_24 : vector<1x16xf32> to vector<16xf32>
      %swap3A_26 = vector.shape_cast %broadcast_in_dim3A_1 : vector<16xf32> to vector<1x16xf32>
      tpu.vector_store %arg9[%swap3A, %swap3A_23], %swap3A_26 {strides = array<i32>} : memref<16x128xf32, #tpu.memory_space<vmem>>, vector<1x16xf32>,
      %swap3A_27 = arith.index_cast %scan3A_22 : i32 to index
      %swap3A_28 = arith.constant 16 : index
      %swap3A_29 = tpu.vector_load %arg9[%swap3A_27, %swap3A_28] {strides = array<i32>} : memref<16x128xf32, #tpu.memory_space<vmem>>, vector<1x16xf32>,
      %swap3A_30 = vector.shape_cast %swap3A_29 : vector<1x16xf32> to vector<16xf32>
      %swap3A_31 = vector.shape_cast %broadcast_in_dim3A_1 : vector<16xf32> to vector<1x16xf32>
      tpu.vector_store %arg9[%swap3A_27, %swap3A_28], %swap3A_31 {strides = array<i32>} : memref<16x128xf32, #tpu.memory_space<vmem>>, vector<1x16xf32>,
      %swap3A_32 = arith.index_cast %scan3A_22 : i32 to index
      %swap3A_33 = arith.constant 32 : index
      %swap3A_34 = tpu.vector_load %arg9[%swap3A_32, %swap3A_33] {strides = array<i32>} : memref<16x128xf32, #tpu.memory_space<vmem>>, vector<1x16xf32>,
      %swap3A_35 = vector.shape_cast %swap3A_34 : vector<1x16xf32> to vector<16xf32>
      %swap3A_36 = vector.shape_cast %broadcast_in_dim3A_1 : vector<16xf32> to vector<1x16xf32>
      tpu.vector_store %arg9[%swap3A_32, %swap3A_33], %swap3A_36 {strides = array<i32>} : memref<16x128xf32, #tpu.memory_space<vmem>>, vector<1x16xf32>,
      %swap3A_37 = arith.index_cast %scan3A_22 : i32 to index
      %swap3A_38 = arith.constant 48 : index
      %swap3A_39 = tpu.vector_load %arg9[%swap3A_37, %swap3A_38] {strides = array<i32>} : memref<16x128xf32, #tpu.memory_space<vmem>>, vector<1x16xf32>,
      %swap3A_40 = vector.shape_cast %swap3A_39 : vector<1x16xf32> to vector<16xf32>
      %swap3A_41 = vector.shape_cast %broadcast_in_dim3A_1 : vector<16xf32> to vector<1x16xf32>
      tpu.vector_store %arg9[%swap3A_37, %swap3A_38], %swap3A_41 {strides = array<i32>} : memref<16x128xf32, #tpu.memory_space<vmem>>, vector<1x16xf32>,
      %swap3A_42 = arith.index_cast %scan3A_22 : i32 to index
      %swap3A_43 = arith.constant 64 : index
      %swap3A_44 = tpu.vector_load %arg9[%swap3A_42, %swap3A_43] {strides = array<i32>} : memref<16x128xf32, #tpu.memory_space<vmem>>, vector<1x16xf32>,
      %swap3A_45 = vector.shape_cast %swap3A_44 : vector<1x16xf32> to vector<16xf32>
      %swap3A_46 = vector.shape_cast %broadcast_in_dim3A_1 : vector<16xf32> to vector<1x16xf32>
      tpu.vector_store %arg9[%swap3A_42, %swap3A_43], %swap3A_46 {strides = array<i32>} : memref<16x128xf32, #tpu.memory_space<vmem>>, vector<1x16xf32>,
      %swap3A_47 = arith.index_cast %scan3A_22 : i32 to index
      %swap3A_48 = arith.constant 80 : index
      %swap3A_49 = tpu.vector_load %arg9[%swap3A_47, %swap3A_48] {strides = array<i32>} : memref<16x128xf32, #tpu.memory_space<vmem>>, vector<1x16xf32>,
      %swap3A_50 = vector.shape_cast %swap3A_49 : vector<1x16xf32> to vector<16xf32>
      %swap3A_51 = vector.shape_cast %broadcast_in_dim3A_1 : vector<16xf32> to vector<1x16xf32>
      tpu.vector_store %arg9[%swap3A_47, %swap3A_48], %swap3A_51 {strides = array<i32>} : memref<16x128xf32, #tpu.memory_space<vmem>>, vector<1x16xf32>,
      %swap3A_52 = arith.index_cast %scan3A_22 : i32 to index
      %swap3A_53 = arith.constant 96 : index
      %swap3A_54 = tpu.vector_load %arg9[%swap3A_52, %swap3A_53] {strides = array<i32>} : memref<16x128xf32, #tpu.memory_space<vmem>>, vector<1x16xf32>,
      %swap3A_55 = vector.shape_cast %swap3A_54 : vector<1x16xf32> to vector<16xf32>
      %swap3A_56 = vector.shape_cast %broadcast_in_dim3A_1 : vector<16xf32> to vector<1x16xf32>
      tpu.vector_store %arg9[%swap3A_52, %swap3A_53], %swap3A_56 {strides = array<i32>} : memref<16x128xf32, #tpu.memory_space<vmem>>, vector<1x16xf32>,
      %swap3A_57 = arith.index_cast %scan3A_22 : i32 to index
      %swap3A_58 = arith.constant 112 : index
      %swap3A_59 = tpu.vector_load %arg9[%swap3A_57, %swap3A_58] {strides = array<i32>} : memref<16x128xf32, #tpu.memory_space<vmem>>, vector<1x16xf32>,
      %swap3A_60 = vector.shape_cast %swap3A_59 : vector<1x16xf32> to vector<16xf32>
      %swap3A_61 = vector.shape_cast %broadcast_in_dim3A_1 : vector<16xf32> to vector<1x16xf32>
      tpu.vector_store %arg9[%swap3A_57, %swap3A_58], %swap3A_61 {strides = array<i32>} : memref<16x128xf32, #tpu.memory_space<vmem>>, vector<1x16xf32>,
    }
    %scan3A_6 = arith.constant 16 : i32
    %mul3A_7 = arith.constant 16 : i32
    %mul3A_8 = arith.muli %arg1, %mul3A_7 : i32
    "tpu.region"() ({
      %run_scoped3A = tpu.sem_alloc : memref<!tpu.dma_semaphore, #tpu.memory_space<semaphore_mem>>
      %dma_start3A = arith.constant 0 : i32
      %dma_start3A_22 = tpu.memref_slice %arg10[%mul3A_8, %dma_start3A] : memref<256x128xf32, #tpu.memory_space<vmem_shared>> -> memref<16x128xf32, #tpu.memory_space<vmem_shared>>
      %dma_start3A_23 = arith.constant 0 : i32
      %dma_start3A_24 = tpu.memref_slice %arg10[%mul3A_8, %dma_start3A_23] : memref<256x128xf32, #tpu.memory_space<vmem_shared>> -> memref<16x128xf32, #tpu.memory_space<vmem_shared>>
      tpu.enqueue_dma source(%arg9 : memref<16x128xf32, #tpu.memory_space<vmem>>) target(%dma_start3A_24 : memref<16x128xf32, #tpu.memory_space<vmem_shared>>) target_semaphore(%run_scoped3A : memref<!tpu.dma_semaphore, #tpu.memory_space<semaphore_mem>>)
      %dma_wait3A = arith.constant 0 : i32
      %dma_wait3A_25 = tpu.memref_slice %arg10[%mul3A_8, %dma_wait3A] : memref<256x128xf32, #tpu.memory_space<vmem_shared>> -> memref<16x128xf32, #tpu.memory_space<vmem_shared>>
      %dma_wait3A_26 = arith.constant 0 : i32
      %dma_wait3A_27 = tpu.memref_slice %arg10[%mul3A_8, %dma_wait3A_26] : memref<256x128xf32, #tpu.memory_space<vmem_shared>> -> memref<16x128xf32, #tpu.memory_space<vmem_shared>>
      tpu.wait_dma2 semaphore(%run_scoped3A : memref<!tpu.dma_semaphore, #tpu.memory_space<semaphore_mem>>) src(%arg9 : memref<16x128xf32, #tpu.memory_space<vmem>>) dst(%dma_wait3A_27 : memref<16x128xf32, #tpu.memory_space<vmem_shared>>)
      tpu.yield
    }) : () -> ()
    %barrier3A = arith.constant 0 : index
    tpu.barrier barrier_id(%barrier3A)
    %lt3A = arith.constant 500 : i32
    %lt3A_9 = arith.cmpi slt, %add3A, %lt3A : i32
    %convert_element_type3A = arith.extui %lt3A_9 : i1 to i32
    %cond3A = arith.constant 0 : i32
    %cond3A_10 = arith.cmpi ne, %convert_element_type3A, %cond3A : i32
    scf.if %cond3A_10 {
      %mul3A_22 = arith.constant 128 : i32
      %mul3A_23 = arith.muli %add3A, %mul3A_22 : i32
      %dma_start3A = tpu.memref_slice %arg3[%mul3A_23] : memref<100000xi32, #tpu.memory_space<hbm>> -> memref<128xi32, #tpu.memory_space<hbm>>
      %dma_start3A_24 = tpu.memref_slice %arg3[%mul3A_23] : memref<100000xi32, #tpu.memory_space<hbm>> -> memref<128xi32, #tpu.memory_space<hbm>>
      tpu.enqueue_dma source(%dma_start3A_24 : memref<128xi32, #tpu.memory_space<hbm>>) target(%arg7 : memref<128xi32, #tpu.memory_space<vmem>>) target_semaphore(%arg11 : memref<!tpu.dma_semaphore, #tpu.memory_space<semaphore_mem>>)
      %mul3A_25 = arith.constant 128 : i32
      %mul3A_26 = arith.muli %add3A, %mul3A_25 : i32
      %dma_start3A_27 = arith.constant 0 : i32
      %dma_start3A_28 = tpu.memref_slice %arg2[%mul3A_26, %dma_start3A_27] : memref<100000x128xf32, #tpu.memory_space<hbm>> -> memref<128x128xf32, #tpu.memory_space<hbm>>
      %dma_start3A_29 = arith.constant 0 : i32
      %dma_start3A_30 = tpu.memref_slice %arg2[%mul3A_26, %dma_start3A_29] : memref<100000x128xf32, #tpu.memory_space<hbm>> -> memref<128x128xf32, #tpu.memory_space<hbm>>
      tpu.enqueue_dma source(%dma_start3A_30 : memref<128x128xf32, #tpu.memory_space<hbm>>) target(%arg5 : memref<128x128xf32, #tpu.memory_space<vmem>>) target_semaphore(%arg11 : memref<!tpu.dma_semaphore, #tpu.memory_space<semaphore_mem>>)
    } else {
    }
    %scan3A_11 = arith.constant 0 : i32
    %scan3A_12 = arith.constant 0 : i32
    %scan3A_13 = arith.constant 8 : i32
    %scan3A_14 = arith.addi %scan3A_12, %scan3A_13 : i32
    %scan3A_15 = arith.constant 1 : i32
    scf.for %scan3A_22 = %scan3A_12 to %scan3A_14 step %scan3A_15  : i32 {
      %mul3A_23 = arith.constant 2 : i32
      %mul3A_24 = arith.muli %mul3A_23, %scan3A_22 : i32
      %mul3A_25 = arith.constant 32 : i32
      %mul3A_26 = arith.muli %mul3A_25, %mul3A_24 : i32
      %add3A_27 = arith.addi %add3A, %mul3A_26 : i32
      %add3A_28 = arith.constant 32 : i32
      %add3A_29 = arith.addi %add3A_27, %add3A_28 : i32
      %add3A_30 = arith.constant 64 : i32
      %add3A_31 = arith.addi %add3A_27, %add3A_30 : i32
      %lt3A_32 = arith.constant 500 : i32
      %lt3A_33 = arith.cmpi slt, %add3A_29, %lt3A_32 : i32
      %convert_element_type3A_34 = arith.extui %lt3A_33 : i1 to i32
      %cond3A_35 = arith.constant 0 : i32
      %cond3A_36 = arith.cmpi ne, %convert_element_type3A_34, %cond3A_35 : i32
      scf.if %cond3A_36 {
        %mul3A_52 = arith.constant 128 : i32
        %mul3A_53 = arith.muli %add3A_29, %mul3A_52 : i32
        %dma_start3A = tpu.memref_slice %arg3[%mul3A_53] : memref<100000xi32, #tpu.memory_space<hbm>> -> memref<128xi32, #tpu.memory_space<hbm>>
        %dma_start3A_54 = tpu.memref_slice %arg3[%mul3A_53] : memref<100000xi32, #tpu.memory_space<hbm>> -> memref<128xi32, #tpu.memory_space<hbm>>
        tpu.enqueue_dma source(%dma_start3A_54 : memref<128xi32, #tpu.memory_space<hbm>>) target(%arg8 : memref<128xi32, #tpu.memory_space<vmem>>) target_semaphore(%arg12 : memref<!tpu.dma_semaphore, #tpu.memory_space<semaphore_mem>>)
        %mul3A_55 = arith.constant 128 : i32
        %mul3A_56 = arith.muli %add3A_29, %mul3A_55 : i32
        %dma_start3A_57 = arith.constant 0 : i32
        %dma_start3A_58 = tpu.memref_slice %arg2[%mul3A_56, %dma_start3A_57] : memref<100000x128xf32, #tpu.memory_space<hbm>> -> memref<128x128xf32, #tpu.memory_space<hbm>>
        %dma_start3A_59 = arith.constant 0 : i32
        %dma_start3A_60 = tpu.memref_slice %arg2[%mul3A_56, %dma_start3A_59] : memref<100000x128xf32, #tpu.memory_space<hbm>> -> memref<128x128xf32, #tpu.memory_space<hbm>>
        tpu.enqueue_dma source(%dma_start3A_60 : memref<128x128xf32, #tpu.memory_space<hbm>>) target(%arg6 : memref<128x128xf32, #tpu.memory_space<vmem>>) target_semaphore(%arg12 : memref<!tpu.dma_semaphore, #tpu.memory_space<semaphore_mem>>)
      } else {
      }
      %lt3A_37 = arith.constant 500 : i32
      %lt3A_38 = arith.cmpi slt, %add3A_27, %lt3A_37 : i32
      %convert_element_type3A_39 = arith.extui %lt3A_38 : i1 to i32
      %cond3A_40 = arith.constant 0 : i32
      %cond3A_41 = arith.cmpi ne, %convert_element_type3A_39, %cond3A_40 : i32
      scf.if %cond3A_41 {
        %mul3A_52 = arith.constant 128 : i32
        %mul3A_53 = arith.muli %add3A_27, %mul3A_52 : i32
        %dma_wait3A = tpu.memref_slice %arg3[%mul3A_53] : memref<100000xi32, #tpu.memory_space<hbm>> -> memref<128xi32, #tpu.memory_space<hbm>>
        %dma_wait3A_54 = tpu.memref_slice %arg3[%mul3A_53] : memref<100000xi32, #tpu.memory_space<hbm>> -> memref<128xi32, #tpu.memory_space<hbm>>
        tpu.wait_dma2 semaphore(%arg11 : memref<!tpu.dma_semaphore, #tpu.memory_space<semaphore_mem>>) src(%dma_wait3A_54 : memref<128xi32, #tpu.memory_space<hbm>>) dst(%arg7 : memref<128xi32, #tpu.memory_space<vmem>>)
        %mul3A_55 = arith.constant 128 : i32
        %mul3A_56 = arith.muli %add3A_27, %mul3A_55 : i32
        %dma_wait3A_57 = arith.constant 0 : i32
        %dma_wait3A_58 = tpu.memref_slice %arg2[%mul3A_56, %dma_wait3A_57] : memref<100000x128xf32, #tpu.memory_space<hbm>> -> memref<128x128xf32, #tpu.memory_space<hbm>>
        %dma_wait3A_59 = arith.constant 0 : i32
        %dma_wait3A_60 = tpu.memref_slice %arg2[%mul3A_56, %dma_wait3A_59] : memref<100000x128xf32, #tpu.memory_space<hbm>> -> memref<128x128xf32, #tpu.memory_space<hbm>>
        tpu.wait_dma2 semaphore(%arg11 : memref<!tpu.dma_semaphore, #tpu.memory_space<semaphore_mem>>) src(%dma_wait3A_60 : memref<128x128xf32, #tpu.memory_space<hbm>>) dst(%arg5 : memref<128x128xf32, #tpu.memory_space<vmem>>)
        "tpu.region"() ({
          %run_scoped3A = tpu.sem_alloc : memref<!tpu.dma_semaphore, #tpu.memory_space<semaphore_mem>>
          %dma_start3A = arith.constant 0 : i32
          %dma_start3A_61 = arith.constant 0 : i32
          %dma_start3A_62 = tpu.memref_slice %arg10[%dma_start3A, %dma_start3A_61] : memref<256x128xf32, #tpu.memory_space<vmem_shared>> -> memref<256x128xf32, #tpu.memory_space<vmem_shared>>
          tpu.enqueue_indirect_dma source(%arg5 : memref<128x128xf32, #tpu.memory_space<vmem>>) target(%dma_start3A_62 : memref<256x128xf32, #tpu.memory_space<vmem_shared>>) offsets(%arg7 : memref<128xi32, #tpu.memory_space<vmem>>) semaphore(%run_scoped3A : memref<!tpu.dma_semaphore, #tpu.memory_space<semaphore_mem>>) {add = true}
          %dma_wait3A_63 = arith.constant 0 : i32
          %dma_wait3A_64 = arith.constant 0 : i32
          %dma_wait3A_65 = tpu.memref_slice %arg10[%dma_wait3A_63, %dma_wait3A_64] : memref<256x128xf32, #tpu.memory_space<vmem_shared>> -> memref<256x128xf32, #tpu.memory_space<vmem_shared>>
          tpu.wait_indirect_dma semaphore(%run_scoped3A : memref<!tpu.dma_semaphore, #tpu.memory_space<semaphore_mem>>) src(%arg5 : memref<128x128xf32, #tpu.memory_space<vmem>>) dst(%dma_wait3A_65 : memref<256x128xf32, #tpu.memory_space<vmem_shared>>)
          tpu.yield
        }) : () -> ()
      } else {
      }
      %lt3A_42 = arith.constant 500 : i32
      %lt3A_43 = arith.cmpi slt, %add3A_31, %lt3A_42 : i32
      %convert_element_type3A_44 = arith.extui %lt3A_43 : i1 to i32
      %cond3A_45 = arith.constant 0 : i32
      %cond3A_46 = arith.cmpi ne, %convert_element_type3A_44, %cond3A_45 : i32
      scf.if %cond3A_46 {
        %mul3A_52 = arith.constant 128 : i32
        %mul3A_53 = arith.muli %add3A_31, %mul3A_52 : i32
        %dma_start3A = tpu.memref_slice %arg3[%mul3A_53] : memref<100000xi32, #tpu.memory_space<hbm>> -> memref<128xi32, #tpu.memory_space<hbm>>
        %dma_start3A_54 = tpu.memref_slice %arg3[%mul3A_53] : memref<100000xi32, #tpu.memory_space<hbm>> -> memref<128xi32, #tpu.memory_space<hbm>>
        tpu.enqueue_dma source(%dma_start3A_54 : memref<128xi32, #tpu.memory_space<hbm>>) target(%arg7 : memref<128xi32, #tpu.memory_space<vmem>>) target_semaphore(%arg11 : memref<!tpu.dma_semaphore, #tpu.memory_space<semaphore_mem>>)
        %mul3A_55 = arith.constant 128 : i32
        %mul3A_56 = arith.muli %add3A_31, %mul3A_55 : i32
        %dma_start3A_57 = arith.constant 0 : i32
        %dma_start3A_58 = tpu.memref_slice %arg2[%mul3A_56, %dma_start3A_57] : memref<100000x128xf32, #tpu.memory_space<hbm>> -> memref<128x128xf32, #tpu.memory_space<hbm>>
        %dma_start3A_59 = arith.constant 0 : i32
        %dma_start3A_60 = tpu.memref_slice %arg2[%mul3A_56, %dma_start3A_59] : memref<100000x128xf32, #tpu.memory_space<hbm>> -> memref<128x128xf32, #tpu.memory_space<hbm>>
        tpu.enqueue_dma source(%dma_start3A_60 : memref<128x128xf32, #tpu.memory_space<hbm>>) target(%arg5 : memref<128x128xf32, #tpu.memory_space<vmem>>) target_semaphore(%arg11 : memref<!tpu.dma_semaphore, #tpu.memory_space<semaphore_mem>>)
      } else {
      }
      %lt3A_47 = arith.constant 500 : i32
      %lt3A_48 = arith.cmpi slt, %add3A_29, %lt3A_47 : i32
      %convert_element_type3A_49 = arith.extui %lt3A_48 : i1 to i32
      %cond3A_50 = arith.constant 0 : i32
      %cond3A_51 = arith.cmpi ne, %convert_element_type3A_49, %cond3A_50 : i32
      scf.if %cond3A_51 {
        %mul3A_52 = arith.constant 128 : i32
        %mul3A_53 = arith.muli %add3A_29, %mul3A_52 : i32
        %dma_wait3A = tpu.memref_slice %arg3[%mul3A_53] : memref<100000xi32, #tpu.memory_space<hbm>> -> memref<128xi32, #tpu.memory_space<hbm>>
        %dma_wait3A_54 = tpu.memref_slice %arg3[%mul3A_53] : memref<100000xi32, #tpu.memory_space<hbm>> -> memref<128xi32, #tpu.memory_space<hbm>>
        tpu.wait_dma2 semaphore(%arg12 : memref<!tpu.dma_semaphore, #tpu.memory_space<semaphore_mem>>) src(%dma_wait3A_54 : memref<128xi32, #tpu.memory_space<hbm>>) dst(%arg8 : memref<128xi32, #tpu.memory_space<vmem>>)
        %mul3A_55 = arith.constant 128 : i32
        %mul3A_56 = arith.muli %add3A_29, %mul3A_55 : i32
        %dma_wait3A_57 = arith.constant 0 : i32
        %dma_wait3A_58 = tpu.memref_slice %arg2[%mul3A_56, %dma_wait3A_57] : memref<100000x128xf32, #tpu.memory_space<hbm>> -> memref<128x128xf32, #tpu.memory_space<hbm>>
        %dma_wait3A_59 = arith.constant 0 : i32
        %dma_wait3A_60 = tpu.memref_slice %arg2[%mul3A_56, %dma_wait3A_59] : memref<100000x128xf32, #tpu.memory_space<hbm>> -> memref<128x128xf32, #tpu.memory_space<hbm>>
        tpu.wait_dma2 semaphore(%arg12 : memref<!tpu.dma_semaphore, #tpu.memory_space<semaphore_mem>>) src(%dma_wait3A_60 : memref<128x128xf32, #tpu.memory_space<hbm>>) dst(%arg6 : memref<128x128xf32, #tpu.memory_space<vmem>>)
        "tpu.region"() ({
          %run_scoped3A = tpu.sem_alloc : memref<!tpu.dma_semaphore, #tpu.memory_space<semaphore_mem>>
          %dma_start3A = arith.constant 0 : i32
          %dma_start3A_61 = arith.constant 0 : i32
          %dma_start3A_62 = tpu.memref_slice %arg10[%dma_start3A, %dma_start3A_61] : memref<256x128xf32, #tpu.memory_space<vmem_shared>> -> memref<256x128xf32, #tpu.memory_space<vmem_shared>>
          tpu.enqueue_indirect_dma source(%arg6 : memref<128x128xf32, #tpu.memory_space<vmem>>) target(%dma_start3A_62 : memref<256x128xf32, #tpu.memory_space<vmem_shared>>) offsets(%arg8 : memref<128xi32, #tpu.memory_space<vmem>>) semaphore(%run_scoped3A : memref<!tpu.dma_semaphore, #tpu.memory_space<semaphore_mem>>) {add = true}
          %dma_wait3A_63 = arith.constant 0 : i32
          %dma_wait3A_64 = arith.constant 0 : i32
          %dma_wait3A_65 = tpu.memref_slice %arg10[%dma_wait3A_63, %dma_wait3A_64] : memref<256x128xf32, #tpu.memory_space<vmem_shared>> -> memref<256x128xf32, #tpu.memory_space<vmem_shared>>
          tpu.wait_indirect_dma semaphore(%run_scoped3A : memref<!tpu.dma_semaphore, #tpu.memory_space<semaphore_mem>>) src(%arg6 : memref<128x128xf32, #tpu.memory_space<vmem>>) dst(%dma_wait3A_65 : memref<256x128xf32, #tpu.memory_space<vmem_shared>>)
          tpu.yield
        }) : () -> ()
      } else {
      }
    }
    %scan3A_16 = arith.constant 8 : i32
    %barrier3A_17 = arith.constant 0 : index
    tpu.barrier barrier_id(%barrier3A_17)
    %mul3A_18 = arith.constant 16 : i32
    %mul3A_19 = arith.muli %arg1, %mul3A_18 : i32
    %mul3A_20 = arith.constant 16 : i32
    %mul3A_21 = arith.muli %arg1, %mul3A_20 : i32
    "tpu.region"() ({
      %run_scoped3A = tpu.sem_alloc : memref<!tpu.dma_semaphore, #tpu.memory_space<semaphore_mem>>
      %dma_start3A = arith.constant 0 : i32
      %dma_start3A_22 = tpu.memref_slice %arg4[%arg0, %mul3A_21, %dma_start3A] : memref<2x256x128xf32, #tpu.memory_space<hbm>> -> memref<1x16x128xf32, #tpu.memory_space<hbm>>
      %dma_start3A_23 = tpu.memref_squeeze %dma_start3A_22 : memref<1x16x128xf32, #tpu.memory_space<hbm>> -> memref<16x128xf32, #tpu.memory_space<hbm>>
      %dma_start3A_24 = arith.constant 0 : i32
      %dma_start3A_25 = tpu.memref_slice %arg10[%mul3A_19, %dma_start3A_24] : memref<256x128xf32, #tpu.memory_space<vmem_shared>> -> memref<16x128xf32, #tpu.memory_space<vmem_shared>>
      tpu.enqueue_dma source(%dma_start3A_25 : memref<16x128xf32, #tpu.memory_space<vmem_shared>>) target(%dma_start3A_23 : memref<16x128xf32, #tpu.memory_space<hbm>>) target_semaphore(%run_scoped3A : memref<!tpu.dma_semaphore, #tpu.memory_space<semaphore_mem>>)
      %dma_wait3A = arith.constant 0 : i32
      %dma_wait3A_26 = tpu.memref_slice %arg4[%arg0, %mul3A_21, %dma_wait3A] : memref<2x256x128xf32, #tpu.memory_space<hbm>> -> memref<1x16x128xf32, #tpu.memory_space<hbm>>
      %dma_wait3A_27 = tpu.memref_squeeze %dma_wait3A_26 : memref<1x16x128xf32, #tpu.memory_space<hbm>> -> memref<16x128xf32, #tpu.memory_space<hbm>>
      %dma_wait3A_28 = arith.constant 0 : i32
      %dma_wait3A_29 = tpu.memref_slice %arg10[%mul3A_19, %dma_wait3A_28] : memref<256x128xf32, #tpu.memory_space<vmem_shared>> -> memref<16x128xf32, #tpu.memory_space<vmem_shared>>
      tpu.wait_dma2 semaphore(%run_scoped3A : memref<!tpu.dma_semaphore, #tpu.memory_space<semaphore_mem>>) src(%dma_wait3A_29 : memref<16x128xf32, #tpu.memory_space<vmem_shared>>) dst(%dma_wait3A_27 : memref<16x128xf32, #tpu.memory_space<hbm>>)
      tpu.yield
    }) : () -> ()
    return
  }
}

module attributes {stable_mosaic.version = 14 : i64} {
  func.func @_count_body(%arg0: memref<1x100000xi32, #tpu.memory_space<vmem>>, %arg1: memref<16x16xf32, #tpu.memory_space<vmem>>) attributes {dimension_semantics = [], scalar_prefetch = 0 : i64, scratch_operands = 0 : i64, tpu.core_type = #tpu.core_type<tc>} {
    %get3A = arith.constant 0 : index
    %get3A_0 = arith.constant 0 : index
    %get3A_1 = vector.load %arg0[%get3A, %get3A_0] : memref<1x100000xi32, #tpu.memory_space<vmem>>, vector<1x100000xi32>
    %get3A_2 = vector.shape_cast %get3A_1 : vector<1x100000xi32> to vector<100000xi32>
    %jit3A = arith.constant 16 : i32
    %div3A = vector.broadcast %jit3A : i32 to vector<100000xi32>
    %div3A_3 = arith.divsi %get3A_2, %div3A : vector<100000xi32>
    %sign3A = arith.constant 0 : i32
    %sign3A_4 = vector.broadcast %sign3A : i32 to vector<100000xi32>
    %sign3A_5 = arith.cmpi sgt, %get3A_2, %sign3A_4 : vector<100000xi32>
    %sign3A_6 = arith.extui %sign3A_5 : vector<100000xi1> to vector<100000xi32>
    %sign3A_7 = arith.constant 0 : i32
    %sign3A_8 = vector.broadcast %sign3A_7 : i32 to vector<100000xi32>
    %sign3A_9 = arith.cmpi slt, %get3A_2, %sign3A_8 : vector<100000xi32>
    %sign3A_10 = arith.extui %sign3A_9 : vector<100000xi1> to vector<100000xi32>
    %sign3A_11 = arith.subi %sign3A_6, %sign3A_10 : vector<100000xi32>
    %sign3A_12 = arith.constant 0 : i32
    %sign3A_13 = arith.cmpi sgt, %jit3A, %sign3A_12 : i32
    %sign3A_14 = arith.extui %sign3A_13 : i1 to i32
    %sign3A_15 = arith.constant 0 : i32
    %sign3A_16 = arith.cmpi slt, %jit3A, %sign3A_15 : i32
    %sign3A_17 = arith.extui %sign3A_16 : i1 to i32
    %sign3A_18 = arith.subi %sign3A_14, %sign3A_17 : i32
    %ne3A = vector.broadcast %sign3A_18 : i32 to vector<100000xi32>
    %ne3A_19 = arith.cmpi ne, %sign3A_11, %ne3A : vector<100000xi32>
    %rem3A = vector.broadcast %jit3A : i32 to vector<100000xi32>
    %rem3A_20 = arith.remsi %get3A_2, %rem3A : vector<100000xi32>
    %ne3A_21 = arith.constant 0 : i32
    %ne3A_22 = vector.broadcast %ne3A_21 : i32 to vector<100000xi32>
    %ne3A_23 = arith.cmpi ne, %rem3A_20, %ne3A_22 : vector<100000xi32>
    %and3A = arith.andi %ne3A_19, %ne3A_23 : vector<100000xi1>
    %sub3A = arith.constant 1 : i32
    %sub3A_24 = vector.broadcast %sub3A : i32 to vector<100000xi32>
    %sub3A_25 = arith.subi %div3A_3, %sub3A_24 : vector<100000xi32>
    %select_n3A = arith.select %and3A, %sub3A_25, %div3A_3 : vector<100000xi1>, vector<100000xi32>
    %mul3A = arith.constant 16 : i32
    %mul3A_26 = vector.broadcast %mul3A : i32 to vector<100000xi32>
    %mul3A_27 = arith.muli %select_n3A, %mul3A_26 : vector<100000xi32>
    %sub3A_28 = arith.subi %get3A_2, %mul3A_27 : vector<100000xi32>
    %iota3A = tpu.iota {dimensions = array<i32: 0>} : vector<16x100000xi32>
    %broadcast_in_dim3A = vector.shape_cast %select_n3A : vector<100000xi32> to vector<1x100000xi32>
    %eq3A = vector.broadcast %broadcast_in_dim3A : vector<1x100000xi32> to vector<16x100000xi32>
    %eq3A_29 = arith.cmpi eq, %iota3A, %eq3A : vector<16x100000xi32>
    %convert_element_type3A = arith.extui %eq3A_29 : vector<16x100000xi1> to vector<16x100000xi32>
    %convert_element_type3A_30 = arith.sitofp %convert_element_type3A : vector<16x100000xi32> to vector<16x100000xf32>
    %iota3A_31 = tpu.iota {dimensions = array<i32: 0>} : vector<16x100000xi32>
    %broadcast_in_dim3A_32 = vector.shape_cast %sub3A_28 : vector<100000xi32> to vector<1x100000xi32>
    %eq3A_33 = vector.broadcast %broadcast_in_dim3A_32 : vector<1x100000xi32> to vector<16x100000xi32>
    %eq3A_34 = arith.cmpi eq, %iota3A_31, %eq3A_33 : vector<16x100000xi32>
    %convert_element_type3A_35 = arith.extui %eq3A_34 : vector<16x100000xi1> to vector<16x100000xi32>
    %convert_element_type3A_36 = arith.sitofp %convert_element_type3A_35 : vector<16x100000xi32> to vector<16x100000xf32>
    %dot_general3A = arith.constant dense<0.000000e+00> : vector<16x16xf32>
    %dot_general3A_37 = tpu.matmul %convert_element_type3A_30, %convert_element_type3A_36, %dot_general3A {dimension_numbers = #tpu.dot_dimension_numbers<[1], [1], [0], [0], [0, 0, 1, 0], [], []>, transpose_lhs_hint = false} : vector<16x100000xf32>, vector<16x100000xf32>, vector<16x16xf32> -> vector<16x16xf32>
    %swap3A = arith.constant 0 : index
    %swap3A_38 = arith.constant 0 : index
    %swap3A_39 = vector.load %arg1[%swap3A, %swap3A_38] : memref<16x16xf32, #tpu.memory_space<vmem>>, vector<16x16xf32>
    tpu.vector_store %arg1[%swap3A, %swap3A_38], %dot_general3A_37 {strides = array<i32>} : memref<16x16xf32, #tpu.memory_space<vmem>>, vector<16x16xf32>,
    return
  }
}

module attributes {stable_mosaic.version = 14 : i64} {
  func.func @_onehot_body(%arg0: i32, %arg1: memref<1x1x4000xi32, #tpu.memory_space<vmem>>, %arg2: memref<4000x128xf32, #tpu.memory_space<vmem>>, %arg3: memref<256x128xf32, #tpu.memory_space<vmem>>, %arg4: memref<256x128xf32, #tpu.memory_space<vmem>>) attributes {dimension_semantics = [#tpu.dimension_semantics<arbitrary>], iteration_bounds = array<i64: 9>, scalar_prefetch = 0 : i64, scratch_operands = 1 : i64, tpu.core_type = #tpu.core_type<tc>, window_params = [{transform_indices = @transform_0, window_bounds = array<i64: 1, 1, 4000>}, {transform_indices = @transform_1, window_bounds = array<i64: 4000, 128>}, {pipeline_mode = #tpu.pipeline_mode<synchronous>, transform_indices = @transform_2, window_bounds = array<i64: 256, 128>}]} {
    %eq3A = arith.constant 0 : i32
    %eq3A_0 = arith.cmpi eq, %arg0, %eq3A : i32
    %convert_element_type3A = arith.extui %eq3A_0 : i1 to i32
    %cond3A = arith.constant 0 : i32
    %cond3A_1 = arith.cmpi ne, %convert_element_type3A, %cond3A : i32
    scf.if %cond3A_1 {
      %broadcast_in_dim3A_31 = arith.constant 0.000000e+00 : f32
      %broadcast_in_dim3A_32 = vector.broadcast %broadcast_in_dim3A_31 : f32 to vector<256x128xf32>
      %swap3A_33 = arith.constant 0 : index
      %swap3A_34 = arith.constant 0 : index
      %swap3A_35 = vector.load %arg4[%swap3A_33, %swap3A_34] : memref<256x128xf32, #tpu.memory_space<vmem>>, vector<256x128xf32>
      tpu.vector_store %arg4[%swap3A_33, %swap3A_34], %broadcast_in_dim3A_32 {strides = array<i32>} : memref<256x128xf32, #tpu.memory_space<vmem>>, vector<256x128xf32>,
    } else {
    }
    %get3A = arith.constant 0 : index
    %get3A_2 = arith.constant 0 : index
    %get3A_3 = arith.constant 0 : index
    %get3A_4 = vector.load %arg1[%get3A, %get3A_2, %get3A_3] : memref<1x1x4000xi32, #tpu.memory_space<vmem>>, vector<1x1x4000xi32>
    %get3A_5 = vector.shape_cast %get3A_4 : vector<1x1x4000xi32> to vector<4000xi32>
    %iota3A = tpu.iota {dimensions = array<i32: 0>} : vector<256x4000xi32>
    %broadcast_in_dim3A = vector.shape_cast %get3A_5 : vector<4000xi32> to vector<1x4000xi32>
    %eq3A_6 = vector.broadcast %broadcast_in_dim3A : vector<1x4000xi32> to vector<256x4000xi32>
    %eq3A_7 = arith.cmpi eq, %iota3A, %eq3A_6 : vector<256x4000xi32>
    %convert_element_type3A_8 = arith.extui %eq3A_7 : vector<256x4000xi1> to vector<256x4000xi32>
    %convert_element_type3A_9 = arith.sitofp %convert_element_type3A_8 : vector<256x4000xi32> to vector<256x4000xf32>
    %convert_element_type3A_10 = arith.truncf %convert_element_type3A_9 : vector<256x4000xf32> to vector<256x4000xbf16>
    %get3A_11 = arith.constant 0 : index
    %get3A_12 = arith.constant 0 : index
    %get3A_13 = vector.load %arg2[%get3A_11, %get3A_12] : memref<4000x128xf32, #tpu.memory_space<vmem>>, vector<4000x128xf32>
    %convert_element_type3A_14 = arith.truncf %get3A_13 : vector<4000x128xf32> to vector<4000x128xbf16>
    %convert_element_type3A_15 = arith.extf %convert_element_type3A_14 : vector<4000x128xbf16> to vector<4000x128xf32>
    %sub3A = arith.subf %get3A_13, %convert_element_type3A_15 : vector<4000x128xf32>
    %convert_element_type3A_16 = arith.truncf %sub3A : vector<4000x128xf32> to vector<4000x128xbf16>
    %get3A_17 = arith.constant 0 : index
    %get3A_18 = arith.constant 0 : index
    %get3A_19 = vector.load %arg4[%get3A_17, %get3A_18] : memref<256x128xf32, #tpu.memory_space<vmem>>, vector<256x128xf32>
    %dot_general3A = arith.constant dense<0.000000e+00> : vector<256x128xf32>
    %dot_general3A_20 = tpu.matmul %convert_element_type3A_10, %convert_element_type3A_14, %dot_general3A {dimension_numbers = #tpu.dot_dimension_numbers<[1], [0], [0], [1], [0, 0, 1, 1], [], []>, transpose_lhs_hint = false} : vector<256x4000xbf16>, vector<4000x128xbf16>, vector<256x128xf32> -> vector<256x128xf32>
    %dot_general3A_21 = arith.constant dense<0.000000e+00> : vector<256x128xf32>
    %dot_general3A_22 = tpu.matmul %convert_element_type3A_10, %convert_element_type3A_16, %dot_general3A_21 {dimension_numbers = #tpu.dot_dimension_numbers<[1], [0], [0], [1], [0, 0, 1, 1], [], []>, transpose_lhs_hint = false} : vector<256x4000xbf16>, vector<4000x128xbf16>, vector<256x128xf32> -> vector<256x128xf32>
    %add3A = arith.addf %dot_general3A_20, %dot_general3A_22 : vector<256x128xf32>
    %add3A_23 = arith.addf %get3A_19, %add3A : vector<256x128xf32>
    %swap3A = arith.constant 0 : index
    %swap3A_24 = arith.constant 0 : index
    %swap3A_25 = vector.load %arg4[%swap3A, %swap3A_24] : memref<256x128xf32, #tpu.memory_space<vmem>>, vector<256x128xf32>
    tpu.vector_store %arg4[%swap3A, %swap3A_24], %add3A_23 {strides = array<i32>} : memref<256x128xf32, #tpu.memory_space<vmem>>, vector<256x128xf32>,
    %eq3A_26 = arith.constant 8 : i32
    %eq3A_27 = arith.cmpi eq, %arg0, %eq3A_26 : i32
    %convert_element_type3A_28 = arith.extui %eq3A_27 : i1 to i32
    %cond3A_29 = arith.constant 0 : i32
    %cond3A_30 = arith.cmpi ne, %convert_element_type3A_28, %cond3A_29 : i32
    scf.if %cond3A_30 {
      %get3A_31 = arith.constant 0 : index
      %get3A_32 = arith.constant 0 : index
      %get3A_33 = vector.load %arg4[%get3A_31, %get3A_32] : memref<256x128xf32, #tpu.memory_space<vmem>>, vector<256x128xf32>
      %swap3A_34 = arith.constant 0 : index
      %swap3A_35 = arith.constant 0 : index
      %swap3A_36 = vector.load %arg3[%swap3A_34, %swap3A_35] : memref<256x128xf32, #tpu.memory_space<vmem>>, vector<256x128xf32>
      tpu.vector_store %arg3[%swap3A_34, %swap3A_35], %get3A_33 {strides = array<i32>} : memref<256x128xf32, #tpu.memory_space<vmem>>, vector<256x128xf32>,
    } else {
    }
    return
  }
  func.func @transform_0(%arg0: i32) -> (i32, i32, i32) {
    %c0_i32 = arith.constant 0 : i32
    %c0_i32_0 = arith.constant 0 : i32
    %c0_i32_1 = arith.constant 0 : i32
    return %arg0, %c0_i32, %c0_i32_0 : i32, i32, i32
  }
  func.func @transform_1(%arg0: i32) -> (i32, i32) {
    %add3A = arith.constant 16 : i32
    %add3A_0 = arith.addi %arg0, %add3A : i32
    %c0_i32 = arith.constant 0 : i32
    %c0_i32_1 = arith.constant 0 : i32
    return %add3A_0, %c0_i32 : i32, i32
  }
  func.func @transform_2(%arg0: i32) -> (i32, i32) {
    %c0_i32 = arith.constant 0 : i32
    %c0_i32_0 = arith.constant 0 : i32
    %c0_i32_1 = arith.constant 0 : i32
    return %c0_i32, %c0_i32_0 : i32, i32
  }
}

module attributes {stable_mosaic.version = 14 : i64} {
  func.func @_mlp_body(%arg0: memref<2x256x128xf32, #tpu.memory_space<vmem>>, %arg1: memref<256x128xf32, #tpu.memory_space<vmem>>, %arg2: memref<256x1xf32, #tpu.memory_space<vmem>>, %arg3: memref<256x128xf32, #tpu.memory_space<vmem>>, %arg4: memref<256x128xf32, #tpu.memory_space<vmem>>, %arg5: memref<1x128xf32, #tpu.memory_space<vmem>>, %arg6: memref<128x128xf32, #tpu.memory_space<vmem>>, %arg7: memref<1x128xf32, #tpu.memory_space<vmem>>, %arg8: memref<256x128xf32, #tpu.memory_space<vmem>>) attributes {dimension_semantics = [], scalar_prefetch = 0 : i64, scratch_operands = 0 : i64, tpu.core_type = #tpu.core_type<tc>} {
    %get3A = arith.constant 0 : index
    %get3A_0 = arith.constant 0 : index
    %get3A_1 = arith.constant 0 : index
    %get3A_2 = vector.load %arg0[%get3A, %get3A_0, %get3A_1] : memref<2x256x128xf32, #tpu.memory_space<vmem>>, vector<1x256x128xf32>
    %get3A_3 = vector.shape_cast %get3A_2 : vector<1x256x128xf32> to vector<256x128xf32>
    %get3A_4 = arith.constant 1 : index
    %get3A_5 = arith.constant 0 : index
    %get3A_6 = arith.constant 0 : index
    %get3A_7 = vector.load %arg0[%get3A_4, %get3A_5, %get3A_6] : memref<2x256x128xf32, #tpu.memory_space<vmem>>, vector<1x256x128xf32>
    %get3A_8 = vector.shape_cast %get3A_7 : vector<1x256x128xf32> to vector<256x128xf32>
    %add3A = arith.addf %get3A_3, %get3A_8 : vector<256x128xf32>
    %get3A_9 = arith.constant 0 : index
    %get3A_10 = arith.constant 0 : index
    %get3A_11 = vector.load %arg1[%get3A_9, %get3A_10] : memref<256x128xf32, #tpu.memory_space<vmem>>, vector<256x128xf32>
    %add3A_12 = arith.addf %add3A, %get3A_11 : vector<256x128xf32>
    %get3A_13 = arith.constant 0 : index
    %get3A_14 = arith.constant 0 : index
    %get3A_15 = vector.load %arg2[%get3A_13, %get3A_14] : memref<256x1xf32, #tpu.memory_space<vmem>>, vector<256x1xf32>
    %max3A = arith.constant 1.000000e+00 : f32
    %max3A_16 = vector.broadcast %max3A : f32 to vector<256x1xf32>
    %max3A_17 = arith.maximumf %get3A_15, %max3A_16 : vector<256x1xf32>
    %div3A = vector.broadcast %max3A_17 : vector<256x1xf32> to vector<256x128xf32>
    %div3A_18 = arith.divf %add3A_12, %div3A : vector<256x128xf32>
    %get3A_19 = arith.constant 0 : index
    %get3A_20 = arith.constant 0 : index
    %get3A_21 = vector.load %arg3[%get3A_19, %get3A_20] : memref<256x128xf32, #tpu.memory_space<vmem>>, vector<256x128xf32>
    %get3A_22 = arith.constant 0 : index
    %get3A_23 = arith.constant 0 : index
    %get3A_24 = vector.load %arg4[%get3A_22, %get3A_23] : memref<256x128xf32, #tpu.memory_space<vmem>>, vector<128x128xf32>
    %dot_general3A = arith.constant dense<0.000000e+00> : vector<256x128xf32>
    %dot_general3A_25 = tpu.matmul %get3A_21, %get3A_24, %dot_general3A {dimension_numbers = #tpu.dot_dimension_numbers<[1], [0], [0], [1], [0, 0, 1, 1], [], []>, transpose_lhs_hint = false} : vector<256x128xf32>, vector<128x128xf32>, vector<256x128xf32> -> vector<256x128xf32>
    %get3A_26 = arith.constant 128 : index
    %get3A_27 = arith.constant 0 : index
    %get3A_28 = vector.load %arg4[%get3A_26, %get3A_27] : memref<256x128xf32, #tpu.memory_space<vmem>>, vector<128x128xf32>
    %dot_general3A_29 = arith.constant dense<0.000000e+00> : vector<256x128xf32>
    %dot_general3A_30 = tpu.matmul %div3A_18, %get3A_28, %dot_general3A_29 {dimension_numbers = #tpu.dot_dimension_numbers<[1], [0], [0], [1], [0, 0, 1, 1], [], []>, transpose_lhs_hint = false} : vector<256x128xf32>, vector<128x128xf32>, vector<256x128xf32> -> vector<256x128xf32>
    %add3A_31 = arith.addf %dot_general3A_25, %dot_general3A_30 : vector<256x128xf32>
    %get3A_32 = arith.constant 0 : index
    %get3A_33 = arith.constant 0 : index
    %get3A_34 = vector.load %arg5[%get3A_32, %get3A_33] : memref<1x128xf32, #tpu.memory_space<vmem>>, vector<1x128xf32>
    %add3A_35 = vector.broadcast %get3A_34 : vector<1x128xf32> to vector<256x128xf32>
    %add3A_36 = arith.addf %add3A_31, %add3A_35 : vector<256x128xf32>
    %max3A_37 = arith.constant 0.000000e+00 : f32
    %max3A_38 = vector.broadcast %max3A_37 : f32 to vector<256x128xf32>
    %max3A_39 = arith.maximumf %add3A_36, %max3A_38 : vector<256x128xf32>
    %get3A_40 = arith.constant 0 : index
    %get3A_41 = arith.constant 0 : index
    %get3A_42 = vector.load %arg6[%get3A_40, %get3A_41] : memref<128x128xf32, #tpu.memory_space<vmem>>, vector<128x128xf32>
    %dot_general3A_43 = arith.constant dense<0.000000e+00> : vector<256x128xf32>
    %dot_general3A_44 = tpu.matmul %max3A_39, %get3A_42, %dot_general3A_43 {dimension_numbers = #tpu.dot_dimension_numbers<[1], [0], [0], [1], [0, 0, 1, 1], [], []>, transpose_lhs_hint = false} : vector<256x128xf32>, vector<128x128xf32>, vector<256x128xf32> -> vector<256x128xf32>
    %get3A_45 = arith.constant 0 : index
    %get3A_46 = arith.constant 0 : index
    %get3A_47 = vector.load %arg7[%get3A_45, %get3A_46] : memref<1x128xf32, #tpu.memory_space<vmem>>, vector<1x128xf32>
    %add3A_48 = vector.broadcast %get3A_47 : vector<1x128xf32> to vector<256x128xf32>
    %add3A_49 = arith.addf %dot_general3A_44, %add3A_48 : vector<256x128xf32>
    %swap3A = arith.constant 0 : index
    %swap3A_50 = arith.constant 0 : index
    %swap3A_51 = vector.load %arg8[%swap3A, %swap3A_50] : memref<256x128xf32, #tpu.memory_space<vmem>>, vector<256x128xf32>
    tpu.vector_store %arg8[%swap3A, %swap3A_50], %add3A_49 {strides = array<i32>} : memref<256x128xf32, #tpu.memory_space<vmem>>, vector<256x128xf32>,
    return
  }
}

</mosaic_0001>

<sc_bundles>
// kernel: kernel.6.cloned.1.call-start
scs
__scs_entry_jumppad:
0x0: {  	(pc) =	sbr.rel $0x88, $3  }
0x1: {  	(tag) =	ssettag $0x0;
	lr =	simm.s32 $0x1  }
0x2: {  	[smem:$0x3F9A] =	sst lr;
	_ =	strace $0xD0000000  }
0x3: {  	_ = 	snop  }
0x4: {  	_ = 	snop  }
0x5: {  	_ = 	snop  }
0x6: {  	_ = 	snop  }
0x7: {  	_ = 	snop  }
__scs_overlays_trampoline_lowered:
0x8: {  	[smem:$0x3FA9] =	sst s0  }
0x9: {  	[smem:$0x3FAA] =	sst s1  }
0xa: {  	[smem:$0x3FAB] =	sst s2  }
0xb: {  	[smem:$0x3FAC] =	sst s3  }
0xc: {  	[smem:$0x3FAD] =	sst s4  }
0xd: {  	[smem:$0x3FAE] =	sst s5  }
0xe: {  	[smem:$0x3FAF] =	sst s6  }
0xf: {  	[smem:$0x3FB0] =	sst s7  }
0x10: {  	[smem:$0x3FB1] =	sst s8  }
0x11: {  	[smem:$0x3FB2] =	sst s9;
	s0 =	simm.s32 @!p0 $0x0  }
0x12: {  	s1 =	sld [smem:$0x3F98];
	s0 =	simm.s32 @p0 $0x1  }
0x13: {  	[smem:$0x3FB3] =	sst s0;
	s0 =	simm.s32 @!p1 $0x0  }
0x14: {  	s2 =	sld [smem:$0x3F97];
	s0 =	simm.s32 @p1 $0x1  }
0x15: {  	[smem:$0x3FB4] =	sst s0;
	s0 =	simm.s32 @!p2 $0x0  }
0x16: {  	s3 =	sld [smem:$0x3FDB];
	s0 =	simm.s32 @p2 $0x1  }
0x17: {  	s4 =	simm.s32 $0x1BF5;
	[smem:$0x3FB6] =	sst s0  }
0x18: {  	s0 =	sld [smem:$0x3F99];
	_ =	swait.ge [sflag:s4], $0x0  }
0x19: {  	s7 =	sld [smem:$0x3F9A]  }
0x1a: {  	s8 =	sadd.s32 $0xFFFFE003, lr  }
0x1b: {  	s9 =	sadd.s32 $0xFFFFFEF7, lr;
	s5 =	simm.s32 $0xFFFFFFFF;
	p2 =	slt.u32 s8, $0xFFFFF086  }
0x1c: {  	p1 =	slt.u32 s9, $0xF7A;
	s5 =	simm.s32 @!p2 $0x0  }
0x1d: {  	s5 =	simm.s32 @p1 $0x1;
	p0 =	seq.s32 s7, s2  }
0x1e: {  	s7 =	smul.u32 @!p0 $0xF7A, s2;
	p2 =	seq.s32 @!p0 s5, $0x0  }
0x1f: {  	s9 =	smul.u32 $0xF7A, s1;
	s8 =	simm.s32 @!p0 $0x1BF5;
	p2 =	por !p2, p0  }
0x20: {  	[sflag:s8] =	ssyncset.s32 @!p0 $0xFFFFF086;
	s6 =	sadd.s32 @!p0 s3, s7;
	s7 =	simm.s32 @!p0 $0x108  }
0x21: {  	s3 =	sadd.s32 s3, s9;
	s6 =	sadd.s32 @!p0 $0x88, s6;
	s7 =	simm.s32 @p2 $0x1082  }
0x22: {  	[simem:s7], [sflag:s8] =	dma.local @!p0 [hbm:s6], $0xF7A  }
0x23: {  	s9 =	sor.u32 $0xD0000000, s2;
	s6 =	simm.s32 $0x108;
	_ =	swait.ge @!p0 [sflag:s8], $0x0  }
0x24: {  	s3 =	sadd.s32 $0x88, s3;
	s6 =	simm.s32 @!p1 $0x1082;
	[sflag:s4] =	ssyncset.s32 $0xFFFFF086  }
0x25: {  	[simem:s6], [sflag:s4] =	dma.local [hbm:s3], $0xF7A  }
0x26: {  	[smem:$0x3F9A] =	sst s1;
	(tag) =	ssettag s2;
	_ =	strace s9  }
0x27: {  	s1 =	sld [smem:$0x3FAA]  }
0x28: {  	s2 =	sld [smem:$0x3FAB]  }
0x29: {  	s4 =	sld [smem:$0x3FAD]  }
0x2a: {  	p0 =	seq.s32 s5, $0x0;
	s5 =	sld [smem:$0x3FAE]  }
0x2b: {  	s6 =	sld [smem:$0x3FAF]  }
0x2c: {  	s7 =	sld [smem:$0x3FB0]  }
0x2d: {  	s3 =	simm.s32 $0x108;
	s8 =	sld [smem:$0x3FB1]  }
0x2e: {  	s3 =	simm.s32 @!p0 $0x1082;
	s9 =	sld [smem:$0x3FB2]  }
0x2f: {  	lr =	sadd.s32 s0, s3;
	s0 =	sld [smem:$0x3FA9]  }
0x30: {  	s3 =	sld [smem:$0x3FAC]  }
0x31: {  	[smem:$0x3FB5] =	sst s10  }
0x32: {  	s10 =	sld [smem:$0x3FB3];
	_ =	sdelay $0x3  }
0x33: {  	p0 =	seq.s32 s10, $0x1;
	s10 =	sld [smem:$0x3FB5];
	_ =	sdelay $0x3  }
0x34: {  	[smem:$0x3FB5] =	sst s10  }
0x35: {  	s10 =	sld [smem:$0x3FB4];
	_ =	sdelay $0x3  }
0x36: {  	p1 =	seq.s32 s10, $0x1;
	s10 =	sld [smem:$0x3FB5];
	_ =	sdelay $0x3  }
0x37: {  	[smem:$0x3FB5] =	sst s10  }
0x38: {  	s10 =	sld [smem:$0x3FB6]  }
0x39: {  	_ = 	snop;
	(pc) =	sbr.ind lr, $3  }
0x3a: {  	_ = 	snop  }
0x3b: {  	_ = 	snop  }
0x3c: {  	p2 =	seq.s32 s10, $0x1;
	s10 =	sld [smem:$0x3FB5]  }
0x3d: {  	_ =	shalt  }
0x3e: {  	_ =	shalt  }
0x3f: {  	_ =	shalt  }
0x40: {  	_ =	shalt  }
0x41: {  	_ =	shalt  }
0x42: {  	_ =	shalt  }
0x43: {  	_ =	shalt  }
0x44: {  	_ =	shalt  }
0x45: {  	_ =	shalt  }
0x46: {  	_ =	shalt  }
0x47: {  	_ =	shalt  }
0x48: {  	_ =	shalt  }
0x49: {  	_ =	shalt  }
0x4a: {  	_ =	shalt  }
0x4b: {  	_ =	shalt  }
0x4c: {  	_ =	shalt  }
0x4d: {  	_ =	shalt  }
0x4e: {  	_ =	shalt  }
0x4f: {  	_ =	shalt  }
0x50: {  	_ =	shalt  }
0x51: {  	_ =	shalt  }
0x52: {  	_ =	shalt  }
0x53: {  	_ =	shalt  }
0x54: {  	_ =	shalt  }
0x55: {  	_ =	shalt  }
0x56: {  	_ =	shalt  }
0x57: {  	_ =	shalt  }
0x58: {  	_ =	shalt  }
0x59: {  	_ =	shalt  }
0x5a: {  	_ =	shalt  }
0x5b: {  	_ =	shalt  }
0x5c: {  	_ =	shalt  }
0x5d: {  	_ =	shalt  }
0x5e: {  	_ =	shalt  }
0x5f: {  	_ =	shalt  }
0x60: {  	_ =	shalt  }
0x61: {  	_ =	shalt  }
0x62: {  	_ =	shalt  }
0x63: {  	_ =	shalt  }
0x64: {  	_ =	shalt  }
0x65: {  	_ =	shalt  }
0x66: {  	_ =	shalt  }
0x67: {  	_ =	shalt  }
0x68: {  	_ =	shalt  }
0x69: {  	_ =	shalt  }
0x6a: {  	_ =	shalt  }
0x6b: {  	_ =	shalt  }
0x6c: {  	_ =	shalt  }
0x6d: {  	_ =	shalt  }
0x6e: {  	_ =	shalt  }
0x6f: {  	_ =	shalt  }
0x70: {  	_ =	shalt  }
0x71: {  	_ =	shalt  }
0x72: {  	_ =	shalt  }
0x73: {  	_ =	shalt  }
0x74: {  	_ =	shalt  }
0x75: {  	_ =	shalt  }
0x76: {  	_ =	shalt  }
0x77: {  	_ =	shalt  }
0x78: {  	_ =	shalt  }
0x79: {  	_ =	shalt  }
0x7a: {  	_ =	shalt  }
0x7b: {  	_ =	shalt  }
0x7c: {  	_ =	shalt  }
0x7d: {  	_ =	shalt  }
0x7e: {  	_ =	shalt  }
0x7f: {  	_ =	shalt  }
0x80: {  	_ =	shalt  }
0x81: {  	_ =	shalt  }
0x82: {  	_ =	shalt  }
0x83: {  	_ =	shalt  }
0x84: {  	_ =	shalt  }
0x85: {  	_ =	shalt  }
0x86: {  	_ =	shalt  }
0x87: {  	_ =	shalt  }
.Lfunc_end0:
.L_simem_size_0:
called_computation_lowered:
.L_overlay_start_0:
0x88: {  	s2 =	sld [smem:$0x3FD9]  }
0x89: {  	s3 =	sld [smem:$0x3FFE];
	_ =	sdelay $0x1  }
0x8a: {  	s1 =	srdreg.scid  }
0x8b: {  	s0 =	sand.u32 $0x1, s1  }
0x8c: {  	s17 =	sshll.u32 s0, $0xA;
	s2 =	sadd.s32 s3, s2  }
0x8d: {  	s2 =	sadd.s32 s2, s17  }
0x8e: {  	[smem:$0x3FC1] =	sst s2  }
0x8f: {  	_ = 	snop  }
0x90: {  	s2 =	sld [smem:$0x3FC9]  }
0x91: {  	s18 =	sld [smem:$0x3FC7];
	(tm) =	ssettm $0x1  }
0x92: {  	s4 =	sld [smem:$0x3FFB];
	_ =	sdelay $0x3  }
0x93: {  	_ =	strace s4  }
0x94: {  	s4 =	sld [smem:$0x3FFC];
	_ =	sdelay $0x3  }
0x95: {  	_ =	strace s4  }
0x96: {  	s4 =	sld [smem:$0x3FFD];
	_ =	sdelay $0x3  }
0x97: {  	_ =	strace s4  }
0x98: {  	_ =	strace $0x8FFFFFFF  }
0x99: {  	s19 =	sld [smem:$0x3FDB];
	_ =	sdelay $0x1  }
0x9a: {  	s5 =	simm.s32 $_scs_section_size  }
0x9b: {  	s6 =	simm.s32 $_size__tile_overlayer_lowered;
	s7 =	simm.s32 $_tile_overlayer_lowered  }
0x9c: {  	s22 =	simm.s32 $0x1BFF;
	s21 =	sshll.u32 s7, $0x1;
	s4 =	sadd.s32 s5, s19  }
0x9d: {  	s8 =	simm.s32 $0x0;
	s20 =	sshll.u32 s6, $0x1;
	s6 =	sadd.s32 s21, s4  }
0x9e: {  	[timem:s8], [sflag:s22] =	dma.local [hbm:s6], s20  }
0x9f: {  	_ =	swait.ge [sflag:s22], s20  }
0xa0: {  	s5 =	ssub.s32 $0x0, s20;
	[sflag:s22] =	ssyncset.done $0x0  }
0xa1: {  	[sflag:s22] =	ssyncadd.s32 s5;
	_ =	sdelay $0x1  }
0xa2: {  	s23 =	simm.s32 $0x1B8B  }
0xa3: {  	_ =	swait.ge [sflag:s23], $0x1  }
0xa4: {  	[sflag:s23] =	ssyncset.done $0x0  }
0xa5: {  	s25 =	simm.s32 $0x1B8E;
	s24 =	sld [smem:$0x3FFE];
	[sflag:s23] =	ssyncadd.s32 $0xFFFFFFFF  }
0xa6: {  	s26 =	simm.s32 $execute0_lowered;
	[smem:$0x3FD2] =	sst s25  }
0xa7: {  	s6 =	sshll.u32 s26, $0x1;
	_ =	strace $0x80000046;
	[dreg:$0x1] =	wrdreg $0xFFFFFFFF  }
0xa8: {  	s28 =	simm.s32 $_size_execute0_lowered;
	s4 =	sadd.s32 s4, s6;
	[dreg:$0x0] =	wrdreg $0x0  }
0xa9: {  	s6 =	sshll.u32 s28, $0x1;
	[dreg:$0x2] =	wrdreg s4  }
0xaa: {  	[dreg:$0x3] =	wrdreg s6  }
0xab: {  	[dreg:$0x4] =	wrdreg $0xC0  }
0xac: {  	_ =	task [dreg:s8], $0x5FFFF  }
0xad: {  	[dreg:$0x1] =	wrdreg $0xFFFFFFFF  }
0xae: {  	[dreg:$0x0] =	wrdreg $0x60  }
0xaf: {  	[dreg:$0x2] =	wrdreg s2  }
0xb0: {  	[dreg:$0x3] =	wrdreg s18  }
0xb1: {  	[dreg:$0x4] =	wrdreg s24  }
0xb2: {  	[dreg:$0x5] =	wrdreg $0x89000  }
0xb3: {  	[dreg:$0x6] =	wrdreg $0x9  }
0xb4: {  	_ =	task.clear_ibuf [dreg:s8], $0x7FFFF;
	_ =	strace $0x90000046  }
0xb5: {  	s29 =	simm.s32 $0x9;
	_ =	strace $0x80000048  }
0xb6: {  	_ =	swait.ge [sflag:s29], $0x1  }
0xb7: {  	[sflag:s29] =	ssyncadd.s32 $0xFFFFFFFF  }
0xb8: {  	_ =	strace $0x90000048  }
0xb9: {  	_ =	sfence  }
0xba: {  	s30 =	sld [smem:$0x0];
	_ =	sdelay $0x2  }
0xbb: {  	s31 =	sshll.u32 s1, $0xD;
	s1 =	sshrl.u32 s1, $0x2  }
0xbc: {  	s3 =	sand.u32 $0x4000, s31;
	s1 =	sadd.s32 s1, s30  }
0xbd: {  	s0 =	sor.u32 s3, s0;
	s1 =	sshll.u32 s1, $0x11  }
0xbe: {  	s0 =	sor.u32 s1, s0  }
0xbf: {  	s0 =	sadd.s32 $0x8F2B, s0  }
0xc0: {  	[sflag:s0] =	ssyncadd.remote.s32 $0x1  }
0xc1: {  	_ =	sfence.sel $0xFFFF  }
0xc2: {  	[dreg:$0x0] =	wrdreg $0xFFFFFFFF;
	(pc) =	sbr.abs _section_cstart, $3  }
0xc3: {  	[dreg:$0x1] =	wrdreg $0xFFFFFFFF  }
0xc4: {  	_ =	task.clear_ibuf [dreg:s8], $0x2FFFF;
	_ =	strace $0x9FFFFFFF  }
0xc5: {  	(tm) =	ssettm $0x7FFFFFFF  }
tec
execute0_lowered:
.L_overlay_start_1:
0x0: {  	(tag) =	ssettag $0x1  }
0x1: {  	s10 =	rddreg [dreg:$0x0]  }
0x2: {  	s11 =	rddreg [dreg:$0x1]  }
0x3: {  	s4 =	rddreg [dreg:$0x2]  }
0x4: {  	s1 =	rddreg [dreg:$0x3]  }
0x5: {  	s0 =	rddreg [dreg:$0x4]  }
0x6: {  	s3 =	simm.s32 $0x0;
	s5 =	srdreg.scid;
	s2 =	stileid.u32  }
0x7: {  	s17 =	simm.s32 $0x4000;
	s18 =	simm.s32 $0x1;
	s19 =	simm.s32 $0x80  }
0x8: {  	s20 =	simm.s32 $0x4;
	s21 =	simm.s32 $0x2;
	[smem:$0x7FF] =	sst s3  }
0x9: {  	s12 =	sand.u32 $0x1, s5;
	s24 =	sshll.u32 s2, $0x8;
	s7 =	sshll.u32 s2, $0x1  }
0xa: {  	s26 =	sshll.u32 s2, $0xB;
	s31 =	sshll.u32 s2, $0xC;
	s15 =	sshll.u32 s2, $0x5  }
0xb: {  	_ =	strace $0x80000047;
	s6 =	ssub.s32 $0x2, s12;
	s8 =	sadd.s32 s24, s4  }
0xc: {  	s7 =	sor.u32 s12, s7;
	s4 =	sadd.s32 s26, s1;
	s29 =	sshll.u32 s12, $0xC  }
0xd: {  	s16 =	sshll.u32 s12, $0xB;
	s15 =	sadd.s32 s15, s11;
	s12 =	sshll.u32 s12, $0x4  }
0xe: {  	s25 =	sshrl.u32 s6, $0x1;
	s28 =	sshll.u32 s7, $0x4;
	s13 =	sshll.u32 s7, $0xB  }
0xf: {  	s8 =	sadd.s32 s29, s8;
	s22 =	sor.u32 $0x1E0, s7;
	s12 =	sadd.s32 s12, s15  }
0x10: {  	s15 =	simm.s32 $0x8000;
	s9 =	ssub.s32 s6, s25;
	s5 =	sadd.s32 s11, s28  }
0x11: {  	s6 =	sadd.s32 s10, s13;
	s7 =	sadd.s32 $0x1200, s8;
	s30 =	sshll.u32 s22, $0x4  }
0x12: {  	s14 =	sshll.u32 s22, $0xB;
	s13 =	sadd.s32 s31, s10;
	s12 =	sadd.s32 $0x200, s12  }
0x13: {  	p0 =	sgt.u32 s22, $0x1F3;
	s22 =	simm.s32 $0x0;
	s8 =	smax.u32 s9, $0x1  }
0x14: {  	s9 =	sadd.s32 s11, s30;
	s10 =	sadd.s32 s10, s14;
	s11 =	sadd.s32 s16, s13  }
0x15: {  	v0 =	vimm.f32 $0.0e+00;
	s13 =	simm.s32 $0x8100;
	s14 =	simm.s32 $0x3;
	s16 =	simm.s32 $0x8080  }
.LBB2_1:
0x16: {  	s23 =	simm.s32 $0x0;
	s24 =	simm.s32 $0x200  }
.LBB2_2:
0x17: {  	p1 =	sne.s32 s24, $0x1E00;
	[tilespmem:s23+$0x8170] =	vst v0  }
0x18: {  	[tilespmem:s23+$0x8100] =	vst v0  }
0x19: {  	[tilespmem:s23+$0x8110] =	vst v0  }
.Ltmp0:
0x1a: {  	[tilespmem:s23+$0x8120] =	vst v0;
	(pc) =	sbr.rel @p1 .LBB2_2-.Ltmp0, $4  }
0x1b: {  	[tilespmem:s23+$0x8130] =	vst v0  }
0x1c: {  	[tilespmem:s23+$0x8140] =	vst v0  }
0x1d: {  	[tilespmem:s23+$0x8150] =	vst v0  }
0x1e: {  	[tilespmem:s23+$0x8160] =	vst v0;
	s23 =	sshra.s32 s24, $0x2;
	s24 =	sadd.s32 $0x200, s24  }
0x1f: {  	[tilespmem:s23+$0x8170] =	vst v0  }
0x20: {  	[tilespmem:s23+$0x8100] =	vst v0  }
0x21: {  	[tilespmem:s23+$0x8110] =	vst v0  }
0x22: {  	[tilespmem:s23+$0x8120] =	vst v0  }
0x23: {  	[tilespmem:s23+$0x8130] =	vst v0  }
0x24: {  	[tilespmem:s23+$0x8140] =	vst v0  }
0x25: {  	[tilespmem:s23+$0x8150] =	vst v0  }
0x26: {  	[tilespmem:s23+$0x8160] =	vst v0  }
0x27: {  	[spmem:s4] =	stream.linear.scatter [tilespmem:s13], [sflag:$0x3], $0x800, $0x38;
	[tilespmem:$0x9100] =	vst v63  }
0x28: {  	_ =	swait.ge [sflag:s14], $0x800  }
0x29: {  	[sflag:s14] =	ssyncset.done $0x0  }
0x2a: {  	[sflag:s14] =	ssyncadd.s32 $0xFFFFF800  }
0x2b: {  	s29 =	simm.s32 $0x0;
	[bflag:$0x0] =	sbarrier.arrive $0xFFFF  }
0x2c: {  	[tilespmem:s15], [sflag:$0x1] =	stream.linear.gather [hbm4b:s5+s29], $0x80, $0x38;
	[tilespmem:$0x9100] =	vst v63  }
0x2d: {  	_ = 	snop  }
0x2e: {  	[tilespmem:s29], [sflag:$0x1] =	stream.linear.gather [hbm4b:s6+s29], $0x4000, $0x38;
	[tilespmem:$0x9100] =	vst v63  }
0x2f: {  	s30 =	sadd.s32 $0x0, s11  }
0x30: {  	[tilespmem:s16], [sflag:$0x2] =	stream.linear.gather [hbm4b:s12+s3], $0x80, $0x38;
	[tilespmem:$0x9100] =	vst v63  }
0x31: {  	s24 =	sadd.s32 $0x10000, s30  }
0x32: {  	[tilespmem:s17], [sflag:$0x2] =	stream.linear.gather [hbm4b:s24+s3], $0x4000, $0x38;
	[tilespmem:$0x9100] =	vst v63  }
0x33: {  	_ =	swait.ge [sflag:s18], $0x80  }
0x34: {  	[sflag:s18] =	ssyncset.done $0x0  }
0x35: {  	[sflag:s18] =	ssyncadd.s32 $0xFFFFFF80  }
0x36: {  	_ =	swait.ge [sflag:s18], $0x4000  }
0x37: {  	[sflag:s18] =	ssyncset.done $0x0  }
0x38: {  	[sflag:s18] =	ssyncadd.s32 $0xFFFFC000  }
0x39: {  	[spmem:s1] =	stream.indirect.scatter.add.f32 [tilespmem:s3], [sflag:$0x4], $0x80, s15, s19, $0xb8;
	[tilespmem:$0x9100] =	vst v63  }
0x3a: {  	_ =	swait.ge [sflag:s20], $0x4000  }
0x3b: {  	[sflag:s20] =	ssyncset.done $0x0  }
0x3c: {  	s31 =	sadd.s32 $0x200, s12;
	[sflag:s20] =	ssyncadd.s32 $0xFFFFC000  }
0x3d: {  	[tilespmem:s15], [sflag:$0x1] =	stream.linear.gather [hbm4b:s31+s3], $0x80, $0x38;
	[tilespmem:$0x9100] =	vst v63  }
0x3e: {  	s23 =	sadd.s32 $0x20000, s30  }
0x3f: {  	[tilespmem:s3], [sflag:$0x1] =	stream.linear.gather [hbm4b:s23+s3], $0x4000, $0x38;
	[tilespmem:$0x9100] =	vst v63  }
0x40: {  	_ =	swait.ge [sflag:s21], $0x80  }
0x41: {  	[sflag:s21] =	ssyncset.done $0x0  }
0x42: {  	[sflag:s21] =	ssyncadd.s32 $0xFFFFFF80  }
0x43: {  	_ =	swait.ge [sflag:s21], $0x4000  }
0x44: {  	[sflag:s21] =	ssyncset.done $0x0  }
0x45: {  	[sflag:s21] =	ssyncadd.s32 $0xFFFFC000  }
0x46: {  	[spmem:s1] =	stream.indirect.scatter.add.f32 [tilespmem:s17], [sflag:$0x3], $0x80, s16, s19, $0xb8;
	[tilespmem:$0x9100] =	vst v63  }
0x47: {  	_ =	swait.ge [sflag:s14], $0x4000  }
0x48: {  	s24 =	simm.s32 $0x20000;
	s23 =	sadd.s32 $0x400, s12;
	[sflag:s14] =	ssyncset.done $0x0  }
.LBB2_4:
0x49: {  	s26 =	smov.u32 s24  }
0x4a: {  	s25 =	sadd.s32 s24, s11;
	[sflag:s14] =	ssyncadd.s32 $0xFFFFC000;
	s26 =	sadd.s32 $0x20000, s24  }
0x4b: {  	[tilespmem:s16], [sflag:$0x2] =	stream.linear.gather [hbm4b:s23+s3], $0x80, $0x38;
	[tilespmem:$0x9100] =	vst v63  }
0x4c: {  	p1 =	sne.s32 s24, $0xC0000;
	s28 =	sadd.s32 $0x10000, s25  }
0x4d: {  	[tilespmem:s17], [sflag:$0x2] =	stream.linear.gather [hbm4b:s28+s3], $0x4000, $0x38;
	[tilespmem:$0x9100] =	vst v63  }
0x4e: {  	_ =	swait.ge [sflag:s18], $0x80  }
0x4f: {  	[sflag:s18] =	ssyncset.done $0x0  }
0x50: {  	[sflag:s18] =	ssyncadd.s32 $0xFFFFFF80  }
0x51: {  	_ =	swait.ge [sflag:s18], $0x4000  }
0x52: {  	[sflag:s18] =	ssyncset.done $0x0  }
0x53: {  	[sflag:s18] =	ssyncadd.s32 $0xFFFFC000  }
0x54: {  	[spmem:s1] =	stream.indirect.scatter.add.f32 [tilespmem:s3], [sflag:$0x4], $0x80, s15, s19, $0xb8;
	[tilespmem:$0x9100] =	vst v63  }
0x55: {  	_ =	swait.ge [sflag:s20], $0x4000  }
0x56: {  	[sflag:s20] =	ssyncset.done $0x0  }
0x57: {  	s24 =	sadd.s32 $0x200, s23;
	[sflag:s20] =	ssyncadd.s32 $0xFFFFC000  }
0x58: {  	[tilespmem:s15], [sflag:$0x1] =	stream.linear.gather [hbm4b:s24+s3], $0x80, $0x38;
	[tilespmem:$0x9100] =	vst v63  }
0x59: {  	s24 =	sadd.s32 $0x20000, s25  }
0x5a: {  	[tilespmem:s3], [sflag:$0x1] =	stream.linear.gather [hbm4b:s24+s3], $0x4000, $0x38;
	[tilespmem:$0x9100] =	vst v63  }
0x5b: {  	_ =	swait.ge [sflag:s21], $0x80  }
0x5c: {  	[sflag:s21] =	ssyncset.done $0x0  }
0x5d: {  	[sflag:s21] =	ssyncadd.s32 $0xFFFFFF80  }
0x5e: {  	_ =	swait.ge [sflag:s21], $0x4000  }
.Ltmp1:
0x5f: {  	[sflag:s21] =	ssyncset.done $0x0;
	(pc) =	sbr.rel @p1 .LBB2_4-.Ltmp1, $4  }
0x60: {  	[sflag:s21] =	ssyncadd.s32 $0xFFFFC000  }
0x61: {  	[spmem:s1] =	stream.indirect.scatter.add.f32 [tilespmem:s17], [sflag:$0x3], $0x80, s16, s19, $0xb8;
	[tilespmem:$0x9100] =	vst v63  }
0x62: {  	_ =	swait.ge [sflag:s14], $0x4000  }
0x63: {  	s23 =	sadd.s32 $0x400, s23;
	s24 =	smov.u32 s26;
	[sflag:s14] =	ssyncset.done $0x0  }
0x64: {  	[sflag:s14] =	ssyncadd.s32 $0xFFFFC000;
	s23 =	simm.s32 @!p0 $0x0;
	s24 =	simm.s32 @!p0 $0x8080  }
0x65: {  	[tilespmem:s24], [sflag:$0x2] =	stream.linear.gather @!p0 [hbm4b:s9+s23], $0x80, $0x38;
	[tilespmem:$0x9100] =	vst v63  }
0x66: {  	s25 =	simm.s32 @!p0 $0x4000  }
0x67: {  	[tilespmem:s25], [sflag:$0x2] =	stream.linear.gather @!p0 [hbm4b:s10+s23], $0x4000, $0x38;
	[tilespmem:$0x9100] =	vst v63  }
0x68: {  	_ =	swait.ge [sflag:s18], $0x80  }
0x69: {  	[sflag:s18] =	ssyncset.done $0x0  }
0x6a: {  	[sflag:s18] =	ssyncadd.s32 $0xFFFFFF80  }
0x6b: {  	_ =	swait.ge [sflag:s18], $0x4000  }
0x6c: {  	[sflag:s18] =	ssyncset.done $0x0  }
0x6d: {  	[sflag:s18] =	ssyncadd.s32 $0xFFFFC000  }
0x6e: {  	[spmem:s1] =	stream.indirect.scatter.add.f32 [tilespmem:s3], [sflag:$0x4], $0x80, s15, s19, $0xb8;
	[tilespmem:$0x9100] =	vst v63  }
0x6f: {  	_ =	swait.ge [sflag:s20], $0x4000  }
0x70: {  	[sflag:s20] =	ssyncset.done $0x0  }
0x71: {  	s23 =	simm.s32 @!p0 $0x2;
	[sflag:s20] =	ssyncadd.s32 $0xFFFFC000  }
0x72: {  	_ =	swait.ge @!p0 [sflag:s23], $0x80  }
0x73: {  	[sflag:s23] =	ssyncset.done @!p0 $0x0  }
0x74: {  	[sflag:s23] =	ssyncadd.s32 @!p0 $0xFFFFFF80  }
0x75: {  	_ =	swait.ge @!p0 [sflag:s23], $0x4000  }
0x76: {  	[sflag:s23] =	ssyncset.done @!p0 $0x0  }
0x77: {  	[sflag:s23] =	ssyncadd.s32 @!p0 $0xFFFFC000;
	s23 =	simm.s32 @!p0 $0x80  }
0x78: {  	[spmem:s1] =	stream.indirect.scatter.add.f32 @!p0 [tilespmem:s25], [sflag:$0x3], $0x80, s24, s23, $0xb8;
	[tilespmem:$0x9100] =	vst v63  }
0x79: {  	s23 =	simm.s32 @!p0 $0x3  }
0x7a: {  	_ =	swait.ge @!p0 [sflag:s23], $0x4000  }
0x7b: {  	s30 =	sshll.u32 s2, $0x6;
	s22 =	sadd.s32 $0x1, s22;
	[sflag:s23] =	ssyncset.done @!p0 $0x0  }
0x7c: {  	s31 =	sshrl.u32 s4, $0x3;
	p1 =	sne.s32 s22, s8;
	[sflag:s23] =	ssyncadd.s32 @!p0 $0xFFFFC000  }
.Ltmp2:
0x7d: {  	s23 =	sor.u32 $0x1C03, s30;
	[bflag:$0x0] =	sbarrier.arrive $0xFFFF;
	(pc) =	sbr.rel @p1 .LBB2_1-.Ltmp2, $4  }
0x7e: {  	[hbm:s7], [sflag:s23] =	dma.local [spmem:s31], $0x100  }
0x7f: {  	_ =	swait.ge [sflag:s14], $0x100  }
0x80: {  	[sflag:s14] =	ssyncset.done $0x0  }
0x81: {  	[sflag:s14] =	ssyncadd.s32 $0xFFFFFF00  }
0x82: {  	_ =	sfence.sel $0x180000  }
0x83: {  	[bflag:$0x0] =	sbarrier.arrive $0xFFFF  }
0x84: {  	p0 =	sne.s32 s2, $0x0;
	_ =	strace $0x90000047  }
0x85: {  	s0 =	sadd.s32 @!p0 $0x100000, s0;
	[bflag:$0x2] =	sbarrier.arrive $0xFFFF  }
0x86: {  	[sflag:s0] =	ssyncadd.tile.s32 @!p0 $0x1;
	_ =	shalt  }
.Lfunc_end2:
_tile_overlayer_lowered:
.L_overlay_start_2:
0x87: {  	(tag) =	ssettag $0x2  }
0x88: {  	s0 =	rddreg [dreg:$0x0];
	s2 =	stileid.u32  }
0x89: {  	s1 =	rddreg [dreg:$0x1];
	p0 =	sne.s32 s2, $0x0  }
0x8a: {  	s3 =	rddreg [dreg:$0x2];
	[bflag:$0x3] =	sbarrier.arrive $0xFFFF;
	s2 =	simm.s32 @!p0 $0x1C03  }
0x8b: {  	[timem:s3], [sflag:s2] =	dma.local @!p0 [hbm:s0], s1  }
0x8c: {  	s0 =	simm.s32 @!p0 $0x3  }
0x8d: {  	_ =	swait.ge @!p0 [sflag:s0], s1  }
0x8e: {  	s1 =	ssub.s32 @!p0 $0x0, s1;
	[sflag:s0] =	ssyncset.done @!p0 $0x0  }
0x8f: {  	[sflag:s0] =	ssyncadd.s32 @!p0 s1  }
0x90: {  	[bflag:$0x3] =	sbarrier.arrive $0xFFFF  }
0x91: {  	_ =	shalt  }

</sc_bundles>
